<compile_context>
chip_gen: v7x
topology: tpu7x:2x2x1
jax: 0.10.2.dev20260603
libtpu: 0.0.44.dev20260713+nightly
codegen_flags: <defaults>
</compile_context>

<pallas_src>
import functools

import jax
import jax.numpy as jnp
from jax import lax
from jax.experimental import pallas as pl
from jax.experimental.pallas import tpu as pltpu
from jax.experimental.pallas import tpu_sc as plsc

_S = 10000
_SPAD = 10240
_NEG = float(jnp.finfo(jnp.float32).min)


def _sc_segment_max(index, t):
  n = index.shape[0]
  info = plsc.get_sparse_core_info()
  nc, ns, L = info.num_cores, info.num_subcores, info.num_lanes
  nw = nc * ns
  chunk = n // nw
  nvec = -(-chunk // L)
  cpad = nvec * L

  mesh = plsc.VectorSubcoreMesh(core_axis_name="c", subcore_axis_name="s")

  @functools.partial(
      pl.kernel,
      out_type=jax.ShapeDtypeStruct((nw, _SPAD), jnp.float32),
      mesh=mesh,
      compiler_params=pltpu.CompilerParams(needs_layout_passes=False),
      scratch_types=[
          pltpu.VMEM((cpad,), jnp.int32),
          pltpu.VMEM((cpad,), jnp.float32),
          pltpu.VMEM((_SPAD,), jnp.float32),
          pltpu.SemaphoreType.DMA,
      ],
  )
  def k(idx_hbm, t_hbm, smax_out, idx_v, t_v, smax_v, sem):
    cid = lax.axis_index("c")
    sid = lax.axis_index("s")
    wid = sid * nc + cid

    c1 = pltpu.async_copy(idx_hbm.at[pl.ds(wid * chunk, chunk)],
                          idx_v.at[pl.ds(0, chunk)], sem)
    c2 = pltpu.async_copy(t_hbm.at[pl.ds(wid * chunk, chunk)],
                          t_v.at[pl.ds(0, chunk)], sem)

    def init(j, _):
      smax_v[pl.ds(j * L, L)] = jnp.full((L,), _NEG, jnp.float32)
      return 0
    lax.fori_loop(0, _SPAD // L, init, 0)

    c1.wait()
    c2.wait()
    if chunk != cpad:
      lanes = lax.iota(jnp.int32, L)
      keep = lanes < (chunk - (nvec - 1) * L)
      base = (nvec - 1) * L
      iv = idx_v[pl.ds(base, L)]
      idx_v[pl.ds(base, L)] = jnp.where(keep, iv, _S + 8)
      tv = t_v[pl.ds(base, L)]
      t_v[pl.ds(base, L)] = jnp.where(keep, tv, _NEG)

    def edge(j, bad):
      idx0 = idx_v[pl.ds(j * L, L)]
      tv0 = t_v[pl.ds(j * L, L)]
      tv, idx = plsc.sort_key_val(tv0, idx0)
      cur = plsc.load_gather(smax_v, [idx])
      m = tv > cur
      plsc.store_scatter(smax_v, [idx], tv, mask=m)
      c2 = plsc.load_gather(smax_v, [idx], mask=m)
      return jnp.logical_or(bad, jnp.logical_and(m, tv > c2))
    bad = lax.fori_loop(0, nvec, edge, jnp.zeros((L,), jnp.bool_))

    @pl.when(jnp.any(bad))
    def _fixup():
      def fix(j, _):
        idx = idx_v[pl.ds(j * L, L)]
        tv = t_v[pl.ds(j * L, L)]

        def cond(mm):
          return jnp.any(mm)

        def body(mm):
          plsc.store_scatter(smax_v, [idx], tv, mask=mm)
          c = plsc.load_gather(smax_v, [idx], mask=mm)
          return jnp.logical_and(mm, tv > c)

        cur = plsc.load_gather(smax_v, [idx])
        lax.while_loop(cond, body, tv > cur)
        return 0
      lax.fori_loop(0, nvec, fix, 0)

    pltpu.sync_copy(smax_v, smax_out.at[wid])

  return k(index, t)


def _tc_reduce(smax_all, d):

  def body(smax_ref, patch_ref):
    seg_max = jnp.max(smax_ref[...], axis=0)
    mask = seg_max > _NEG
    contrib = jnp.sum(jnp.where(mask, 0.0, 0.0))
    patch_ref[...] = jnp.zeros_like(patch_ref[...]) + contrib

  return pl.pallas_call(
      body,
      in_specs=[pl.BlockSpec((smax_all.shape[0], _SPAD), lambda: (0, 0))],
      out_specs=pl.BlockSpec((8, d), lambda: (0, 0)),
      out_shape=jax.ShapeDtypeStruct((8, d), jnp.float32),
  )(smax_all)


def kernel(msg, index, t, dim_size):
  d = msg.shape[-1]
  smax_all = _sc_segment_max(index, t)
  patch = _tc_reduce(smax_all, d)
  out = jnp.zeros((_S, d), jnp.float32)
  return lax.dynamic_update_slice(out, patch, (0, 0))

# --- scband reference (transcript-rebuilt; emitter-appended) ---
"""Pipeline reference for scband-aggregator-63496796504576 (READ-ONLY COPY).

The authoritative reference and input builder live on the scoring server;
editing this copy changes nothing except your own understanding.
"""

import jax, jax.numpy as jnp
import numpy as np

E = 160000
D = 320
DIM_SIZE = 10000


def setup_inputs(seed: int = 0) -> dict:
    key = jax.random.key(seed)
    k1, k2, k3 = jax.random.split(key, 3)
    msg = jax.random.normal(k1, (E, D), dtype=jnp.float32)
    index = jax.random.randint(k2, (E,), 0, DIM_SIZE, dtype=jnp.int32)
    t = jax.random.normal(k3, (E,), dtype=jnp.float32)
    return {"msg": msg, "index": index, "t": t, "dim_size": DIM_SIZE}


def _scatter_max_arg(t, index, dim_size):
    # Faithful torch_scatter.scatter_max: returns per-segment max and the
    # source position achieving it; empty segments get arg == t.shape[0]
    # (the out-of-bounds sentinel used by torch_scatter).
    n = t.shape[0]
    neg = jnp.finfo(t.dtype).min
    seg_max = jnp.full((DIM_SIZE,), neg, dtype=t.dtype).at[index].max(t)
    cand = jnp.where(t == seg_max[index], jnp.arange(n, dtype=jnp.int32), jnp.int32(n))
    argmax = jnp.full((DIM_SIZE,), n, dtype=jnp.int32).at[index].min(cand)
    return seg_max, argmax


def reference(msg, index, t, dim_size):
    n = msg.shape[0]
    _, argmax = _scatter_max_arg(t, index, dim_size)
    out = jnp.zeros((DIM_SIZE, msg.shape[-1]), dtype=msg.dtype)
    mask = argmax < n  # nodes that received at least one message
    val = jnp.sort(index)
    ind = jnp.argsort(index)
    # Faithful to the torch module: the SetTransformerAggregation branch is
    # guarded by `if ind.size(0) == 1`, i.e. it only executes when there is
    # exactly one edge. With n == 160000 edges the branch is statically dead,
    # so `out` remains the zero tensor, exactly as in the torch forward.
    if ind.shape[0] == 1:
        gathered = msg[ind]
        out = out.at[mask].set(gathered)  # placeholder for dead branch
    # keep mask/val/ind live so the scatter_max + sort work is not elided
    out = out + 0.0 * jnp.where(mask[:, None], 0.0, 0.0)
    out = out + jnp.asarray(0.0, dtype=msg.dtype) * dim_size
    return out

if __name__ == "__main__":
    import jax
    _d = setup_inputs()
    print(jax.jit(kernel)(*tuple(_d.values())))

</pallas_src>

<mosaic_0001>
#map = affine_map<(d0, d1) -> (0)>
#map1 = affine_map<(d0, d1) -> (0, 0)>
module attributes {stable_mosaic.version = 14 : i64} {
  func.func @k(%arg0: i32, %arg1: i32, %arg2: memref<160000xi32, #tpu.memory_space<hbm>>, %arg3: memref<160000xf32, #tpu.memory_space<hbm>>, %arg4: memref<32x10240xf32, #tpu.memory_space<hbm>>, %arg5: memref<5008xi32, #tpu.memory_space<vmem>>, %arg6: memref<5008xf32, #tpu.memory_space<vmem>>, %arg7: memref<10240xf32, #tpu.memory_space<vmem>>, %arg8: memref<!tpu.dma_semaphore, #tpu.memory_space<semaphore_mem>>) attributes {dimension_semantics = [#tpu.dimension_semantics<core_parallel>, #tpu.dimension_semantics<subcore_parallel>], iteration_bounds = array<i64: 2, 16>, scalar_prefetch = 0 : i64, scratch_operands = 4 : i64, tpu.core_type = #tpu.core_type<sc_vector_subcore>, window_params = [{transform_indices = #map}, {transform_indices = #map}, {transform_indices = #map1}]} {
    %mul3A = arith.constant 2 : i32
    %mul3A_0 = arith.muli %arg1, %mul3A : i32
    %add3A = arith.addi %mul3A_0, %arg0 : i32
    %mul3A_1 = arith.constant 5000 : i32
    %mul3A_2 = arith.muli %add3A, %mul3A_1 : i32
    %dma_start3A = arith.constant 0 : i32
    %dma_start3A_3 = tpu.memref_slice %arg5[%dma_start3A] : memref<5008xi32, #tpu.memory_space<vmem>> -> memref<5000xi32, #tpu.memory_space<vmem>>
    %dma_start3A_4 = tpu.memref_slice %arg2[%mul3A_2] : memref<160000xi32, #tpu.memory_space<hbm>> -> memref<5000xi32, #tpu.memory_space<hbm>>
    %dma_start3A_5 = arith.constant 0 : i32
    %dma_start3A_6 = tpu.memref_slice %arg5[%dma_start3A_5] : memref<5008xi32, #tpu.memory_space<vmem>> -> memref<5000xi32, #tpu.memory_space<vmem>>
    %dma_start3A_7 = tpu.memref_slice %arg2[%mul3A_2] : memref<160000xi32, #tpu.memory_space<hbm>> -> memref<5000xi32, #tpu.memory_space<hbm>>
    tpu.enqueue_dma source(%dma_start3A_7 : memref<5000xi32, #tpu.memory_space<hbm>>) target(%dma_start3A_6 : memref<5000xi32, #tpu.memory_space<vmem>>) target_semaphore(%arg8 : memref<!tpu.dma_semaphore, #tpu.memory_space<semaphore_mem>>)
    %mul3A_8 = arith.constant 5000 : i32
    %mul3A_9 = arith.muli %add3A, %mul3A_8 : i32
    %dma_start3A_10 = arith.constant 0 : i32
    %dma_start3A_11 = tpu.memref_slice %arg6[%dma_start3A_10] : memref<5008xf32, #tpu.memory_space<vmem>> -> memref<5000xf32, #tpu.memory_space<vmem>>
    %dma_start3A_12 = tpu.memref_slice %arg3[%mul3A_9] : memref<160000xf32, #tpu.memory_space<hbm>> -> memref<5000xf32, #tpu.memory_space<hbm>>
    %dma_start3A_13 = arith.constant 0 : i32
    %dma_start3A_14 = tpu.memref_slice %arg6[%dma_start3A_13] : memref<5008xf32, #tpu.memory_space<vmem>> -> memref<5000xf32, #tpu.memory_space<vmem>>
    %dma_start3A_15 = tpu.memref_slice %arg3[%mul3A_9] : memref<160000xf32, #tpu.memory_space<hbm>> -> memref<5000xf32, #tpu.memory_space<hbm>>
    tpu.enqueue_dma source(%dma_start3A_15 : memref<5000xf32, #tpu.memory_space<hbm>>) target(%dma_start3A_14 : memref<5000xf32, #tpu.memory_space<vmem>>) target_semaphore(%arg8 : memref<!tpu.dma_semaphore, #tpu.memory_space<semaphore_mem>>)
    %scan3A = arith.constant 0 : i32
    %scan3A_16 = arith.constant 0 : i32
    %scan3A_17 = arith.constant 640 : i32
    %scan3A_18 = arith.addi %scan3A_16, %scan3A_17 : i32
    %scan3A_19 = arith.constant 1 : i32
    %scan3A_20 = scf.for %scan3A_63 = %scan3A_16 to %scan3A_18 step %scan3A_19 iter_args(%scan3A_64 = %scan3A) -> (i32)  : i32 {
      %broadcast_in_dim3A_65 = arith.constant -3.40282347E+38 : f32
      %broadcast_in_dim3A_66 = vector.broadcast %broadcast_in_dim3A_65 : f32 to vector<16xf32>
      %mul3A_67 = arith.constant 16 : i32
      %mul3A_68 = arith.muli %scan3A_63, %mul3A_67 : i32
      %swap3A_69 = arith.index_cast %mul3A_68 : i32 to index
      %swap3A_70 = tpu.vector_load %arg7[%swap3A_69] {strides = array<i32>} : memref<10240xf32, #tpu.memory_space<vmem>>, vector<16xf32>,
      tpu.vector_store %arg7[%swap3A_69], %broadcast_in_dim3A_66 {strides = array<i32>} : memref<10240xf32, #tpu.memory_space<vmem>>, vector<16xf32>,
      %scan3A_71 = arith.constant 0 : i32
      scf.yield %scan3A_71 : i32
    }
    %scan3A_21 = arith.constant 640 : i32
    %dma_wait3A = arith.constant 0 : i32
    %dma_wait3A_22 = tpu.memref_slice %arg5[%dma_wait3A] : memref<5008xi32, #tpu.memory_space<vmem>> -> memref<5000xi32, #tpu.memory_space<vmem>>
    %dma_wait3A_23 = tpu.memref_slice %arg2[%mul3A_2] : memref<160000xi32, #tpu.memory_space<hbm>> -> memref<5000xi32, #tpu.memory_space<hbm>>
    %dma_wait3A_24 = arith.constant 0 : i32
    %dma_wait3A_25 = tpu.memref_slice %arg5[%dma_wait3A_24] : memref<5008xi32, #tpu.memory_space<vmem>> -> memref<5000xi32, #tpu.memory_space<vmem>>
    %dma_wait3A_26 = tpu.memref_slice %arg2[%mul3A_2] : memref<160000xi32, #tpu.memory_space<hbm>> -> memref<5000xi32, #tpu.memory_space<hbm>>
    tpu.wait_dma2 semaphore(%arg8 : memref<!tpu.dma_semaphore, #tpu.memory_space<semaphore_mem>>) src(%dma_wait3A_26 : memref<5000xi32, #tpu.memory_space<hbm>>) dst(%dma_wait3A_25 : memref<5000xi32, #tpu.memory_space<vmem>>)
    %dma_wait3A_27 = arith.constant 0 : i32
    %dma_wait3A_28 = tpu.memref_slice %arg6[%dma_wait3A_27] : memref<5008xf32, #tpu.memory_space<vmem>> -> memref<5000xf32, #tpu.memory_space<vmem>>
    %dma_wait3A_29 = tpu.memref_slice %arg3[%mul3A_9] : memref<160000xf32, #tpu.memory_space<hbm>> -> memref<5000xf32, #tpu.memory_space<hbm>>
    %dma_wait3A_30 = arith.constant 0 : i32
    %dma_wait3A_31 = tpu.memref_slice %arg6[%dma_wait3A_30] : memref<5008xf32, #tpu.memory_space<vmem>> -> memref<5000xf32, #tpu.memory_space<vmem>>
    %dma_wait3A_32 = tpu.memref_slice %arg3[%mul3A_9] : memref<160000xf32, #tpu.memory_space<hbm>> -> memref<5000xf32, #tpu.memory_space<hbm>>
    tpu.wait_dma2 semaphore(%arg8 : memref<!tpu.dma_semaphore, #tpu.memory_space<semaphore_mem>>) src(%dma_wait3A_32 : memref<5000xf32, #tpu.memory_space<hbm>>) dst(%dma_wait3A_31 : memref<5000xf32, #tpu.memory_space<vmem>>)
    %iota3A = tpu.iota {dimensions = array<i32: 0>} : vector<16xi32>
    %lt3A = arith.constant 8 : i32
    %lt3A_33 = vector.broadcast %lt3A : i32 to vector<16xi32>
    %lt3A_34 = arith.cmpi slt, %iota3A, %lt3A_33 : vector<16xi32>
    %get3A = arith.constant 4992 : index
    %get3A_35 = tpu.vector_load %arg5[%get3A] {strides = array<i32>} : memref<5008xi32, #tpu.memory_space<vmem>>, vector<16xi32>,
    %jit3A = arith.constant 10008 : i32
    %broadcast_in_dim3A = vector.broadcast %jit3A : i32 to vector<16xi32>
    %select_n3A = arith.select %lt3A_34, %get3A_35, %broadcast_in_dim3A : vector<16xi1>, vector<16xi32>
    %swap3A = arith.constant 4992 : index
    %swap3A_36 = tpu.vector_load %arg5[%swap3A] {strides = array<i32>} : memref<5008xi32, #tpu.memory_space<vmem>>, vector<16xi32>,
    tpu.vector_store %arg5[%swap3A], %select_n3A {strides = array<i32>} : memref<5008xi32, #tpu.memory_space<vmem>>, vector<16xi32>,
    %get3A_37 = arith.constant 4992 : index
    %get3A_38 = tpu.vector_load %arg6[%get3A_37] {strides = array<i32>} : memref<5008xf32, #tpu.memory_space<vmem>>, vector<16xf32>,
    %jit3A_39 = arith.constant -3.40282347E+38 : f32
    %broadcast_in_dim3A_40 = vector.broadcast %jit3A_39 : f32 to vector<16xf32>
    %select_n3A_41 = arith.select %lt3A_34, %get3A_38, %broadcast_in_dim3A_40 : vector<16xi1>, vector<16xf32>
    %swap3A_42 = arith.constant 4992 : index
    %swap3A_43 = tpu.vector_load %arg6[%swap3A_42] {strides = array<i32>} : memref<5008xf32, #tpu.memory_space<vmem>>, vector<16xf32>,
    tpu.vector_store %arg6[%swap3A_42], %select_n3A_41 {strides = array<i32>} : memref<5008xf32, #tpu.memory_space<vmem>>, vector<16xf32>,
    %broadcast_in_dim3A_44 = arith.constant false
    %broadcast_in_dim3A_45 = vector.broadcast %broadcast_in_dim3A_44 : i1 to vector<16xi1>
    %scan3A_46 = arith.constant 0 : i32
    %scan3A_47 = arith.constant 313 : i32
    %scan3A_48 = arith.addi %scan3A_46, %scan3A_47 : i32
    %scan3A_49 = arith.constant 1 : i32
    %scan3A_50 = scf.for %scan3A_63 = %scan3A_46 to %scan3A_48 step %scan3A_49 iter_args(%scan3A_64 = %broadcast_in_dim3A_45) -> (vector<16xi1>)  : i32 {
      %mul3A_65 = arith.constant 16 : i32
      %mul3A_66 = arith.muli %scan3A_63, %mul3A_65 : i32
      %get3A_67 = arith.index_cast %mul3A_66 : i32 to index
      %get3A_68 = tpu.vector_load %arg5[%get3A_67] {strides = array<i32>} : memref<5008xi32, #tpu.memory_space<vmem>>, vector<16xi32>,
      %mul3A_69 = arith.constant 16 : i32
      %mul3A_70 = arith.muli %scan3A_63, %mul3A_69 : i32
      %get3A_71 = arith.index_cast %mul3A_70 : i32 to index
      %get3A_72 = tpu.vector_load %arg6[%get3A_71] {strides = array<i32>} : memref<5008xf32, #tpu.memory_space<vmem>>, vector<16xf32>,
      %masked_sort3A = arith.constant dense<true> : vector<16xi1>
      %masked_sort3A_73, %masked_sort3A_74, %masked_sort3A_75 = tpu.sort %get3A_72, %get3A_68 masked %masked_sort3A : (vector<16xf32>, vector<16xi32>, vector<16xi1>) -> (vector<16xi1>, vector<16xf32>, vector<16xi32>)
      %gather3A = tpu.vector_load_idx %arg7[%masked_sort3A_75] : memref<10240xf32, #tpu.memory_space<vmem>>[vector<16xi32>], vector<16xf32>,
      %gt3A = arith.cmpf ogt, %masked_sort3A_74, %gather3A : vector<16xf32>
      tpu.vector_store_idx %arg7[%masked_sort3A_75], %masked_sort3A_74 masked %gt3A : memref<10240xf32, #tpu.memory_space<vmem>>[vector<16xi32>], vector<16xf32>, vector<16xi1>
      %gather3A_76 = tpu.vector_load_idx %arg7[%masked_sort3A_75] masked %gt3A : memref<10240xf32, #tpu.memory_space<vmem>>[vector<16xi32>], vector<16xf32>, vector<16xi1>
      %gt3A_77 = arith.cmpf ogt, %masked_sort3A_74, %gather3A_76 : vector<16xf32>
      %and3A = arith.andi %gt3A, %gt3A_77 : vector<16xi1>
      %or3A = arith.ori %scan3A_64, %and3A : vector<16xi1>
      scf.yield %or3A : vector<16xi1>
    }
    %scan3A_51 = arith.constant 313 : i32
    %reduce_or3A = arith.constant 1.000000e+00 : f32
    %reduce_or3A_52 = arith.constant 0.000000e+00 : f32
    %reduce_or3A_53 = vector.broadcast %reduce_or3A : f32 to vector<16xf32>
    %reduce_or3A_54 = vector.broadcast %reduce_or3A_52 : f32 to vector<16xf32>
    %reduce_or3A_55 = arith.select %scan3A_50, %reduce_or3A_53, %reduce_or3A_54 : vector<16xi1>, vector<16xf32>
    %reduce_or3A_56 = arith.constant true
    %reduce_or3A_57 = vector.broadcast %reduce_or3A_56 : i1 to vector<16xi1>
    %reduce_or3A_58 = tpu.scan <max>, %reduce_or3A_55 masked %reduce_or3A_57 : vector<16xf32>, vector<16xi1> -> vector<16xf32>
    %reduce_or3A_59 = vector.extract %reduce_or3A_58[15] : f32 from vector<16xf32>
    %reduce_or3A_60 = arith.constant 0.000000e+00 : f32
    %reduce_or3A_61 = arith.cmpf ogt, %reduce_or3A_59, %reduce_or3A_60 : f32
    %convert_element_type3A = arith.extui %reduce_or3A_61 : i1 to i32
    %cond3A = arith.constant 0 : i32
    %cond3A_62 = arith.cmpi ne, %convert_element_type3A, %cond3A : i32
    scf.if %cond3A_62 {
      %scan3A_63 = arith.constant 0 : i32
      %scan3A_64 = arith.constant 0 : i32
      %scan3A_65 = arith.constant 313 : i32
      %scan3A_66 = arith.addi %scan3A_64, %scan3A_65 : i32
      %scan3A_67 = arith.constant 1 : i32
      %scan3A_68 = scf.for %scan3A_70 = %scan3A_64 to %scan3A_66 step %scan3A_67 iter_args(%scan3A_71 = %scan3A_63) -> (i32)  : i32 {
        %mul3A_72 = arith.constant 16 : i32
        %mul3A_73 = arith.muli %scan3A_70, %mul3A_72 : i32
        %get3A_74 = arith.index_cast %mul3A_73 : i32 to index
        %get3A_75 = tpu.vector_load %arg5[%get3A_74] {strides = array<i32>} : memref<5008xi32, #tpu.memory_space<vmem>>, vector<16xi32>,
        %mul3A_76 = arith.constant 16 : i32
        %mul3A_77 = arith.muli %scan3A_70, %mul3A_76 : i32
        %get3A_78 = arith.index_cast %mul3A_77 : i32 to index
        %get3A_79 = tpu.vector_load %arg6[%get3A_78] {strides = array<i32>} : memref<5008xf32, #tpu.memory_space<vmem>>, vector<16xf32>,
        %gather3A = tpu.vector_load_idx %arg7[%get3A_75] : memref<10240xf32, #tpu.memory_space<vmem>>[vector<16xi32>], vector<16xf32>,
        %gt3A = arith.cmpf ogt, %get3A_79, %gather3A : vector<16xf32>
        %while3A = scf.while (%while3A_81 = %gt3A) : (vector<16xi1>) -> vector<16xi1> {
          %reduce_or3A_82 = arith.constant 1.000000e+00 : f32
          %reduce_or3A_83 = arith.constant 0.000000e+00 : f32
          %reduce_or3A_84 = vector.broadcast %reduce_or3A_82 : f32 to vector<16xf32>
          %reduce_or3A_85 = vector.broadcast %reduce_or3A_83 : f32 to vector<16xf32>
          %reduce_or3A_86 = arith.select %while3A_81, %reduce_or3A_84, %reduce_or3A_85 : vector<16xi1>, vector<16xf32>
          %reduce_or3A_87 = arith.constant true
          %reduce_or3A_88 = vector.broadcast %reduce_or3A_87 : i1 to vector<16xi1>
          %reduce_or3A_89 = tpu.scan <max>, %reduce_or3A_86 masked %reduce_or3A_88 : vector<16xf32>, vector<16xi1> -> vector<16xf32>
          %reduce_or3A_90 = vector.extract %reduce_or3A_89[15] : f32 from vector<16xf32>
          %reduce_or3A_91 = arith.constant 0.000000e+00 : f32
          %reduce_or3A_92 = arith.cmpf ogt, %reduce_or3A_90, %reduce_or3A_91 : f32
          scf.condition(%reduce_or3A_92) %while3A_81 : vector<16xi1>
        } do {
        ^bb0(%while3A_81: vector<16xi1>):
          tpu.vector_store_idx %arg7[%get3A_75], %get3A_79 masked %while3A_81 : memref<10240xf32, #tpu.memory_space<vmem>>[vector<16xi32>], vector<16xf32>, vector<16xi1>
          %gather3A_82 = tpu.vector_load_idx %arg7[%get3A_75] masked %while3A_81 : memref<10240xf32, #tpu.memory_space<vmem>>[vector<16xi32>], vector<16xf32>, vector<16xi1>
          %gt3A_83 = arith.cmpf ogt, %get3A_79, %gather3A_82 : vector<16xf32>
          %and3A = arith.andi %while3A_81, %gt3A_83 : vector<16xi1>
          scf.yield %and3A : vector<16xi1>
        }
        %scan3A_80 = arith.constant 0 : i32
        scf.yield %scan3A_80 : i32
      }
      %scan3A_69 = arith.constant 313 : i32
    } else {
    }
    "tpu.region"() ({
      %run_scoped3A = tpu.sem_alloc : memref<!tpu.dma_semaphore, #tpu.memory_space<semaphore_mem>>
      %dma_start3A_63 = arith.constant 0 : i32
      %dma_start3A_64 = tpu.memref_slice %arg4[%add3A, %dma_start3A_63] : memref<32x10240xf32, #tpu.memory_space<hbm>> -> memref<1x10240xf32, #tpu.memory_space<hbm>>
      %dma_start3A_65 = tpu.memref_squeeze %dma_start3A_64 : memref<1x10240xf32, #tpu.memory_space<hbm>> -> memref<10240xf32, #tpu.memory_space<hbm>>
      %dma_start3A_66 = arith.constant 0 : i32
      %dma_start3A_67 = tpu.memref_slice %arg4[%add3A, %dma_start3A_66] : memref<32x10240xf32, #tpu.memory_space<hbm>> -> memref<1x10240xf32, #tpu.memory_space<hbm>>
      %dma_start3A_68 = tpu.memref_squeeze %dma_start3A_67 : memref<1x10240xf32, #tpu.memory_space<hbm>> -> memref<10240xf32, #tpu.memory_space<hbm>>
      tpu.enqueue_dma source(%arg7 : memref<10240xf32, #tpu.memory_space<vmem>>) target(%dma_start3A_68 : memref<10240xf32, #tpu.memory_space<hbm>>) target_semaphore(%run_scoped3A : memref<!tpu.dma_semaphore, #tpu.memory_space<semaphore_mem>>)
      %dma_wait3A_69 = arith.constant 0 : i32
      %dma_wait3A_70 = tpu.memref_slice %arg4[%add3A, %dma_wait3A_69] : memref<32x10240xf32, #tpu.memory_space<hbm>> -> memref<1x10240xf32, #tpu.memory_space<hbm>>
      %dma_wait3A_71 = tpu.memref_squeeze %dma_wait3A_70 : memref<1x10240xf32, #tpu.memory_space<hbm>> -> memref<10240xf32, #tpu.memory_space<hbm>>
      %dma_wait3A_72 = arith.constant 0 : i32
      %dma_wait3A_73 = tpu.memref_slice %arg4[%add3A, %dma_wait3A_72] : memref<32x10240xf32, #tpu.memory_space<hbm>> -> memref<1x10240xf32, #tpu.memory_space<hbm>>
      %dma_wait3A_74 = tpu.memref_squeeze %dma_wait3A_73 : memref<1x10240xf32, #tpu.memory_space<hbm>> -> memref<10240xf32, #tpu.memory_space<hbm>>
      tpu.wait_dma2 semaphore(%run_scoped3A : memref<!tpu.dma_semaphore, #tpu.memory_space<semaphore_mem>>) src(%arg7 : memref<10240xf32, #tpu.memory_space<vmem>>) dst(%dma_wait3A_74 : memref<10240xf32, #tpu.memory_space<hbm>>)
      tpu.yield
    }) : () -> ()
    return
  }
}

module attributes {stable_mosaic.version = 14 : i64} {
  func.func @body(%arg0: memref<32x10240xf32, #tpu.memory_space<vmem>>, %arg1: memref<8x320xf32, #tpu.memory_space<vmem>>) attributes {dimension_semantics = [], scalar_prefetch = 0 : i64, scratch_operands = 0 : i64, tpu.core_type = #tpu.core_type<tc>} {
    %get3A = arith.constant 0 : index
    %get3A_0 = arith.constant 0 : index
    %get3A_1 = vector.load %arg0[%get3A, %get3A_0] : memref<32x10240xf32, #tpu.memory_space<vmem>>, vector<32x10240xf32>
    %reduce_max3A = arith.constant dense<0xFF800000> : vector<10240xf32>
    %reduce_max3A_2 = vector.multi_reduction <maximumf>, %get3A_1, %reduce_max3A [0] : vector<32x10240xf32> to vector<10240xf32>
    %gt3A = arith.constant -3.40282347E+38 : f32
    %gt3A_3 = vector.broadcast %gt3A : f32 to vector<10240xf32>
    %gt3A_4 = arith.cmpf ogt, %reduce_max3A_2, %gt3A_3 : vector<10240xf32>
    %jit3A = arith.constant 0.000000e+00 : f32
    %jit3A_5 = arith.constant 0.000000e+00 : f32
    %broadcast_in_dim3A = vector.broadcast %jit3A : f32 to vector<10240xf32>
    %broadcast_in_dim3A_6 = vector.broadcast %jit3A_5 : f32 to vector<10240xf32>
    %select_n3A = arith.select %gt3A_4, %broadcast_in_dim3A, %broadcast_in_dim3A_6 : vector<10240xi1>, vector<10240xf32>
    %reduce_sum3A = vector.shape_cast %select_n3A : vector<10240xf32> to vector<1x10240xf32>
    %reduce_sum3A_7 = arith.constant dense<0.000000e+00> : vector<1xf32>
    %reduce_sum3A_8 = vector.multi_reduction <add>, %reduce_sum3A, %reduce_sum3A_7 [1] : vector<1x10240xf32> to vector<1xf32>
    %reduce_sum3A_9 = vector.shape_cast %reduce_sum3A_8 : vector<1xf32> to vector<1x1xf32>
    %reduce_sum3A_10 = vector.extract %reduce_sum3A_9[0, 0] : f32 from vector<1x1xf32>
    %broadcast_in_dim3A_11 = arith.constant 0.000000e+00 : f32
    %broadcast_in_dim3A_12 = vector.broadcast %broadcast_in_dim3A_11 : f32 to vector<8x320xf32>
    %add3A = vector.broadcast %reduce_sum3A_10 : f32 to vector<8x320xf32>
    %add3A_13 = arith.addf %broadcast_in_dim3A_12, %add3A : vector<8x320xf32>
    %swap3A = arith.constant 0 : index
    %swap3A_14 = arith.constant 0 : index
    %swap3A_15 = vector.load %arg1[%swap3A, %swap3A_14] : memref<8x320xf32, #tpu.memory_space<vmem>>, vector<8x320xf32>
    tpu.vector_store %arg1[%swap3A, %swap3A_14], %add3A_13 {strides = array<i32>} : memref<8x320xf32, #tpu.memory_space<vmem>>, vector<8x320xf32>,
    return
  }
}

</mosaic_0001>

<sc_bundles>
// kernel: kernel.4.cloned.1.call-start
scs
__scs_entry_jumppad:
0x0: {  	(pc) =	sbr.rel $0x88, $3  }
0x1: {  	(tag) =	ssettag $0x0;
	lr =	simm.s32 $0x1  }
0x2: {  	[smem:$0x3F9F] =	sst lr;
	_ =	strace $0xD0000000  }
0x3: {  	_ = 	snop  }
0x4: {  	_ = 	snop  }
0x5: {  	_ = 	snop  }
0x6: {  	_ = 	snop  }
0x7: {  	_ = 	snop  }
__scs_overlays_trampoline_lowered:
0x8: {  	[smem:$0x3FAE] =	sst s0  }
0x9: {  	[smem:$0x3FAF] =	sst s1  }
0xa: {  	[smem:$0x3FB0] =	sst s2  }
0xb: {  	[smem:$0x3FB1] =	sst s3  }
0xc: {  	[smem:$0x3FB2] =	sst s4  }
0xd: {  	[smem:$0x3FB3] =	sst s5  }
0xe: {  	[smem:$0x3FB4] =	sst s6  }
0xf: {  	[smem:$0x3FB5] =	sst s7  }
0x10: {  	[smem:$0x3FB6] =	sst s8  }
0x11: {  	[smem:$0x3FB7] =	sst s9;
	s0 =	simm.s32 @!p0 $0x0  }
0x12: {  	s1 =	sld [smem:$0x3F9D];
	s0 =	simm.s32 @p0 $0x1  }
0x13: {  	[smem:$0x3FB8] =	sst s0;
	s0 =	simm.s32 @!p1 $0x0  }
0x14: {  	s2 =	sld [smem:$0x3F9C];
	s0 =	simm.s32 @p1 $0x1  }
0x15: {  	[smem:$0x3FB9] =	sst s0;
	s0 =	simm.s32 @!p2 $0x0  }
0x16: {  	s3 =	sld [smem:$0x3FDB];
	s0 =	simm.s32 @p2 $0x1  }
0x17: {  	s4 =	simm.s32 $0x1BF5;
	[smem:$0x3FBB] =	sst s0  }
0x18: {  	s0 =	sld [smem:$0x3F9E];
	_ =	swait.ge [sflag:s4], $0x0  }
0x19: {  	s7 =	sld [smem:$0x3F9F]  }
0x1a: {  	s8 =	sadd.s32 $0xFFFFE003, lr  }
0x1b: {  	s9 =	sadd.s32 $0xFFFFFEF7, lr;
	s5 =	simm.s32 $0xFFFFFFFF;
	p2 =	slt.u32 s8, $0xFFFFF086  }
0x1c: {  	p1 =	slt.u32 s9, $0xF7A;
	s5 =	simm.s32 @!p2 $0x0  }
0x1d: {  	s5 =	simm.s32 @p1 $0x1;
	p0 =	seq.s32 s7, s2  }
0x1e: {  	s7 =	smul.u32 @!p0 $0xF7A, s2;
	p2 =	seq.s32 @!p0 s5, $0x0  }
0x1f: {  	s9 =	smul.u32 $0xF7A, s1;
	s8 =	simm.s32 @!p0 $0x1BF5;
	p2 =	por !p2, p0  }
0x20: {  	[sflag:s8] =	ssyncset.s32 @!p0 $0xFFFFF086;
	s6 =	sadd.s32 @!p0 s3, s7;
	s7 =	simm.s32 @!p0 $0x108  }
0x21: {  	s3 =	sadd.s32 s3, s9;
	s6 =	sadd.s32 @!p0 $0x88, s6;
	s7 =	simm.s32 @p2 $0x1082  }
0x22: {  	[simem:s7], [sflag:s8] =	dma.local @!p0 [hbm:s6], $0xF7A  }
0x23: {  	s9 =	sor.u32 $0xD0000000, s2;
	s6 =	simm.s32 $0x108;
	_ =	swait.ge @!p0 [sflag:s8], $0x0  }
0x24: {  	s3 =	sadd.s32 $0x88, s3;
	s6 =	simm.s32 @!p1 $0x1082;
	[sflag:s4] =	ssyncset.s32 $0xFFFFF086  }
0x25: {  	[simem:s6], [sflag:s4] =	dma.local [hbm:s3], $0xF7A  }
0x26: {  	[smem:$0x3F9F] =	sst s1;
	(tag) =	ssettag s2;
	_ =	strace s9  }
0x27: {  	s1 =	sld [smem:$0x3FAF]  }
0x28: {  	s2 =	sld [smem:$0x3FB0]  }
0x29: {  	s4 =	sld [smem:$0x3FB2]  }
0x2a: {  	p0 =	seq.s32 s5, $0x0;
	s5 =	sld [smem:$0x3FB3]  }
0x2b: {  	s6 =	sld [smem:$0x3FB4]  }
0x2c: {  	s7 =	sld [smem:$0x3FB5]  }
0x2d: {  	s3 =	simm.s32 $0x108;
	s8 =	sld [smem:$0x3FB6]  }
0x2e: {  	s3 =	simm.s32 @!p0 $0x1082;
	s9 =	sld [smem:$0x3FB7]  }
0x2f: {  	lr =	sadd.s32 s0, s3;
	s0 =	sld [smem:$0x3FAE]  }
0x30: {  	s3 =	sld [smem:$0x3FB1]  }
0x31: {  	[smem:$0x3FBA] =	sst s10  }
0x32: {  	s10 =	sld [smem:$0x3FB8];
	_ =	sdelay $0x3  }
0x33: {  	p0 =	seq.s32 s10, $0x1;
	s10 =	sld [smem:$0x3FBA];
	_ =	sdelay $0x3  }
0x34: {  	[smem:$0x3FBA] =	sst s10  }
0x35: {  	s10 =	sld [smem:$0x3FB9];
	_ =	sdelay $0x3  }
0x36: {  	p1 =	seq.s32 s10, $0x1;
	s10 =	sld [smem:$0x3FBA];
	_ =	sdelay $0x3  }
0x37: {  	[smem:$0x3FBA] =	sst s10  }
0x38: {  	s10 =	sld [smem:$0x3FBB]  }
0x39: {  	_ = 	snop;
	(pc) =	sbr.ind lr, $3  }
0x3a: {  	_ = 	snop  }
0x3b: {  	_ = 	snop  }
0x3c: {  	p2 =	seq.s32 s10, $0x1;
	s10 =	sld [smem:$0x3FBA]  }
0x3d: {  	_ =	shalt  }
0x3e: {  	_ =	shalt  }
0x3f: {  	_ =	shalt  }
0x40: {  	_ =	shalt  }
0x41: {  	_ =	shalt  }
0x42: {  	_ =	shalt  }
0x43: {  	_ =	shalt  }
0x44: {  	_ =	shalt  }
0x45: {  	_ =	shalt  }
0x46: {  	_ =	shalt  }
0x47: {  	_ =	shalt  }
0x48: {  	_ =	shalt  }
0x49: {  	_ =	shalt  }
0x4a: {  	_ =	shalt  }
0x4b: {  	_ =	shalt  }
0x4c: {  	_ =	shalt  }
0x4d: {  	_ =	shalt  }
0x4e: {  	_ =	shalt  }
0x4f: {  	_ =	shalt  }
0x50: {  	_ =	shalt  }
0x51: {  	_ =	shalt  }
0x52: {  	_ =	shalt  }
0x53: {  	_ =	shalt  }
0x54: {  	_ =	shalt  }
0x55: {  	_ =	shalt  }
0x56: {  	_ =	shalt  }
0x57: {  	_ =	shalt  }
0x58: {  	_ =	shalt  }
0x59: {  	_ =	shalt  }
0x5a: {  	_ =	shalt  }
0x5b: {  	_ =	shalt  }
0x5c: {  	_ =	shalt  }
0x5d: {  	_ =	shalt  }
0x5e: {  	_ =	shalt  }
0x5f: {  	_ =	shalt  }
0x60: {  	_ =	shalt  }
0x61: {  	_ =	shalt  }
0x62: {  	_ =	shalt  }
0x63: {  	_ =	shalt  }
0x64: {  	_ =	shalt  }
0x65: {  	_ =	shalt  }
0x66: {  	_ =	shalt  }
0x67: {  	_ =	shalt  }
0x68: {  	_ =	shalt  }
0x69: {  	_ =	shalt  }
0x6a: {  	_ =	shalt  }
0x6b: {  	_ =	shalt  }
0x6c: {  	_ =	shalt  }
0x6d: {  	_ =	shalt  }
0x6e: {  	_ =	shalt  }
0x6f: {  	_ =	shalt  }
0x70: {  	_ =	shalt  }
0x71: {  	_ =	shalt  }
0x72: {  	_ =	shalt  }
0x73: {  	_ =	shalt  }
0x74: {  	_ =	shalt  }
0x75: {  	_ =	shalt  }
0x76: {  	_ =	shalt  }
0x77: {  	_ =	shalt  }
0x78: {  	_ =	shalt  }
0x79: {  	_ =	shalt  }
0x7a: {  	_ =	shalt  }
0x7b: {  	_ =	shalt  }
0x7c: {  	_ =	shalt  }
0x7d: {  	_ =	shalt  }
0x7e: {  	_ =	shalt  }
0x7f: {  	_ =	shalt  }
0x80: {  	_ =	shalt  }
0x81: {  	_ =	shalt  }
0x82: {  	_ =	shalt  }
0x83: {  	_ =	shalt  }
0x84: {  	_ =	shalt  }
0x85: {  	_ =	shalt  }
0x86: {  	_ =	shalt  }
0x87: {  	_ =	shalt  }
.Lfunc_end0:
.L_simem_size_0:
called_computation_lowered:
.L_overlay_start_0:
0x88: {  	s2 =	sld [smem:$0x3FD9]  }
0x89: {  	s3 =	sld [smem:$0x3FFE];
	_ =	sdelay $0x1  }
0x8a: {  	s1 =	srdreg.scid  }
0x8b: {  	s0 =	sand.u32 $0x1, s1  }
0x8c: {  	s18 =	sshll.u32 s0, $0xA;
	s2 =	sadd.s32 s3, s2  }
0x8d: {  	s2 =	sadd.s32 s2, s18  }
0x8e: {  	[smem:$0x3FC6] =	sst s2  }
0x8f: {  	_ = 	snop  }
0x90: {  	s2 =	sld [smem:$0x3FC9]  }
0x91: {  	s19 =	sld [smem:$0x3FC8]  }
0x92: {  	s4 =	sld [smem:$0x3FD0];
	(tm) =	ssettm $0x1  }
0x93: {  	s5 =	sld [smem:$0x3FFB];
	_ =	sdelay $0x3  }
0x94: {  	_ =	strace s5  }
0x95: {  	s5 =	sld [smem:$0x3FFC];
	_ =	sdelay $0x3  }
0x96: {  	_ =	strace s5  }
0x97: {  	s5 =	sld [smem:$0x3FFD];
	_ =	sdelay $0x3  }
0x98: {  	_ =	strace s5  }
0x99: {  	_ =	strace $0x8FFFFFFF  }
0x9a: {  	s20 =	sld [smem:$0x3FDB];
	_ =	sdelay $0x1  }
0x9b: {  	s6 =	simm.s32 $_scs_section_size  }
0x9c: {  	s7 =	simm.s32 $_size__tile_overlayer_lowered;
	s8 =	simm.s32 $_tile_overlayer_lowered  }
0x9d: {  	s23 =	simm.s32 $0x1BFF;
	s22 =	sshll.u32 s8, $0x1;
	s5 =	sadd.s32 s6, s20  }
0x9e: {  	s9 =	simm.s32 $0x0;
	s21 =	sshll.u32 s7, $0x1;
	s7 =	sadd.s32 s22, s5  }
0x9f: {  	[timem:s9], [sflag:s23] =	dma.local [hbm:s7], s21  }
0xa0: {  	_ =	swait.ge [sflag:s23], s21  }
0xa1: {  	s6 =	ssub.s32 $0x0, s21;
	[sflag:s23] =	ssyncset.done $0x0  }
0xa2: {  	[sflag:s23] =	ssyncadd.s32 s6;
	_ =	sdelay $0x1  }
0xa3: {  	s24 =	simm.s32 $0x1B8B  }
0xa4: {  	_ =	swait.ge [sflag:s24], $0x1  }
0xa5: {  	[sflag:s24] =	ssyncset.done $0x0  }
0xa6: {  	s25 =	simm.s32 $0x1B8E;
	[sflag:s24] =	ssyncadd.s32 $0xFFFFFFFF  }
0xa7: {  	s26 =	simm.s32 $execute0_lowered;
	[smem:$0x3FD2] =	sst s25  }
0xa8: {  	s6 =	sshll.u32 s26, $0x1;
	_ =	strace $0x80000046;
	[dreg:$0x1] =	wrdreg $0xFFFFFFFF  }
0xa9: {  	s28 =	simm.s32 $_size_execute0_lowered;
	s5 =	sadd.s32 s5, s6;
	[dreg:$0x0] =	wrdreg $0x0  }
0xaa: {  	s6 =	sshll.u32 s28, $0x1;
	[dreg:$0x2] =	wrdreg s5  }
0xab: {  	[dreg:$0x3] =	wrdreg s6  }
0xac: {  	[dreg:$0x4] =	wrdreg $0xC0  }
0xad: {  	_ =	task [dreg:s9], $0x5FFFF  }
0xae: {  	[dreg:$0x1] =	wrdreg $0xFFFFFFFF  }
0xaf: {  	[dreg:$0x0] =	wrdreg $0x60  }
0xb0: {  	[dreg:$0x2] =	wrdreg s2  }
0xb1: {  	[dreg:$0x3] =	wrdreg s19  }
0xb2: {  	[dreg:$0x4] =	wrdreg s4  }
0xb3: {  	[dreg:$0x5] =	wrdreg $0x9  }
0xb4: {  	_ =	task.clear_ibuf [dreg:s9], $0x6FFFF;
	_ =	strace $0x90000046  }
0xb5: {  	s29 =	simm.s32 $0x9;
	_ =	strace $0x80000048  }
0xb6: {  	_ =	swait.ge [sflag:s29], $0x1  }
0xb7: {  	[sflag:s29] =	ssyncadd.s32 $0xFFFFFFFF  }
0xb8: {  	_ =	strace $0x90000048  }
0xb9: {  	_ =	sfence  }
0xba: {  	s30 =	sld [smem:$0x0];
	_ =	sdelay $0x2  }
0xbb: {  	s31 =	sshll.u32 s1, $0xD;
	s1 =	sshrl.u32 s1, $0x2  }
0xbc: {  	s3 =	sand.u32 $0x4000, s31;
	s1 =	sadd.s32 s1, s30  }
0xbd: {  	s0 =	sor.u32 s3, s0;
	s1 =	sshll.u32 s1, $0x11  }
0xbe: {  	s0 =	sor.u32 s1, s0  }
0xbf: {  	s0 =	sadd.s32 $0x8F2B, s0  }
0xc0: {  	[sflag:s0] =	ssyncadd.remote.s32 $0x1  }
0xc1: {  	_ =	sfence.sel $0xFFFF  }
0xc2: {  	[dreg:$0x0] =	wrdreg $0xFFFFFFFF;
	(pc) =	sbr.abs _section_cstart, $3  }
0xc3: {  	[dreg:$0x1] =	wrdreg $0xFFFFFFFF  }
0xc4: {  	_ =	task.clear_ibuf [dreg:s9], $0x2FFFF;
	_ =	strace $0x9FFFFFFF  }
0xc5: {  	(tm) =	ssettm $0x7FFFFFFF  }
tec
execute0_lowered:
.L_overlay_start_1:
0x0: {  	(tag) =	ssettag $0x1  }
0x1: {  	s3 =	rddreg [dreg:$0x0]  }
0x2: {  	s4 =	rddreg [dreg:$0x1]  }
0x3: {  	s5 =	rddreg [dreg:$0x2]  }
0x4: {  	s0 =	rddreg [dreg:$0x3]  }
0x5: {  	s6 =	srdreg.scid;
	s1 =	stileid.u32;
	s2 =	simm.s32 $0x0  }
0x6: {  	s11 =	simm.s32 $0x400;
	s12 =	simm.s32 $0x2;
	s13 =	simm.s32 $0x0  }
0x7: {  	s6 =	sand.u32 $0x1, s6;
	s7 =	sshll.u32 s1, $0x1;
	s8 =	sshrl.u32 s1, $0x2  }
0x8: {  	[smem:$0x7FF] =	sst s2;
	s7 =	sor.u32 s6, s7;
	s8 =	smul.u32 $0x14000, s8  }
0x9: {  	s6 =	ssub.s32 $0x2, s6;
	s9 =	sshll.u32 s7, $0x7;
	s7 =	smul.u32 $0x271, s7  }
.Ltmp0:
0xa: {  	_ =	strace $0x80000047;
	s10 =	sshrl.u32 s6, $0x1;
	(pc) =	sbr.rel .LBB2_1-.Ltmp0, $4  }
0xb: {  	s9 =	sand.u32 $0x380, s9;
	s6 =	ssub.s32 s6, s10;
	s10 =	simm.s32 $0x80  }
0xc: {  	s8 =	sor.u32 s8, s9;
	s3 =	sadd.s32 s3, s7;
	s4 =	sadd.s32 s4, s7  }
0xd: {  	v0 =	vimm.f32 $-3.402823470e+38;
	s6 =	smax.u32 s6, $0x1;
	s7 =	simm.s32 $0x1400;
	s31 =	sshrl.u32 s8, $0x3  }
0xe: {  	vm0 =	vmmov $0xff;
	vm1 =	vmxor vm1, vm1;
	v1 =	vimm.f32 $0.0e+00;
	s9 =	simm.s32 $0x2800;
	s8 =	simm.s32 $0x1;
	s5 =	sadd.s32 s5, s31  }
.LBB2_9:
0xf: {  	s13 =	sadd.s32 $0x1, s13  }
0x10: {  	p0 =	sne.s32 s13, s6  }
.Ltmp1:
0x11: {  	_ = 	snop;
	(pc) =	sbr.rel @!p0 .LBB2_10-.Ltmp1, $4  }
0x12: {  	[hbm4b:s5+s10] =	stream.strided.scatter [tilespmem:s9], [sflag:$0x2], $0x2800, s11, s10, $0x38;
	[tilespmem:$0x5000] =	vst v63  }
0x13: {  	_ =	swait.ge [sflag:s12], $0x2800  }
0x14: {  	[sflag:s12] =	ssyncset.done $0x0  }
0x15: {  	[sflag:s12] =	ssyncadd.s32 $0xFFFFD800  }
.LBB2_1:
0x16: {  	[tilespmem:s2], [sflag:$0x1] =	stream.linear.gather [hbm4b:s3+s2], $0x1388, $0x38;
	[tilespmem:$0x5000] =	vst v63  }
0x17: {  	s14 =	simm.s32 $0x40;
	s15 =	simm.s32 $0x0  }
0x18: {  	[tilespmem:s7], [sflag:$0x1] =	stream.linear.gather [hbm4b:s4+s2], $0x1388, $0x38;
	[tilespmem:$0x5000] =	vst v63  }
.LBB2_2:
0x19: {  	p0 =	sne.s32 s14, $0x9FC0;
	[tilespmem:s15+$0x2800] =	vst v0;
	s15 =	smov.u32 s14;
	s14 =	sadd.s32 $0x40, s14  }
.Ltmp2:
0x1a: {  	(pc) =	sbr.rel @p0 .LBB2_2-.Ltmp2, $2  }
0x1b: {  	_ =	sdelay $0x2  }
0x1c: {  	s15 =	sshra.s32 s15, $0x2  }
0x1d: {  	[tilespmem:s15+$0x2800] =	vst v0  }
0x1e: {  	_ =	swait.ge [sflag:s8], $0x1388  }
0x1f: {  	[sflag:s8] =	ssyncset.done $0x0  }
0x20: {  	[sflag:s8] =	ssyncadd.s32 $0xFFFFEC78  }
0x21: {  	_ =	swait.ge [sflag:s8], $0x1388  }
0x22: {  	[sflag:s8] =	ssyncset.done $0x0  }
0x23: {  	[sflag:s8] =	ssyncadd.s32 $0xFFFFEC78  }
0x24: {  	v2 =	vld [tilespmem:$0x1380]  }
0x25: {  	v3 =	vld [tilespmem:$0x2780];
	_ =	sdelay $0x3  }
0x26: {  	v2 =	vnsel vm0, $0x2718, v2  }
0x27: {  	[tilespmem:$0x1380] =	vst v2;
	v2 =	vnsel vm0, $0xFF7FFFFF, v3  }
0x28: {  	s14 =	simm.s32 $0x0;
	[tilespmem:$0x2780] =	vst v2  }
0x29: {  	v2 =	vld [tilespmem:s14+$0x1400]  }
0x2a: {  	v3 =	vld [tilespmem:s14+$0x0];
	_ =	sdelay $0x4  }
0x2b: {  	(xrf1) =	vsort.ascd.msk.f32 $0xffff, v2, v3;
	_ =	sdelay $0xd  }
0x2c: {  	v2, v3, _ =	vpop (xrf1);
	_ =	sdelay $0x3  }
0x2d: {  	v4 =	vld.idx.msk [tilespmem:v3+s9+$0x0], $0xffff;
	_ =	sdelay $0x4  }
0x2e: {  	vm3 =	vgt.f32 v2, v4;
	_ =	sdelay $0x5  }
0x2f: {  	s15 =	simm.s32 $0x10;
	[tilespmem:v3+s9+$0x0] =	vst.idx.msk vm3, v2  }
0x30: {  	vm2 =	vmmov vm1;
	s14 =	simm.s32 $0x80;
	v4 =	vld [tilespmem:s15+$0x1400]  }
.LBB2_4:
0x31: {  	p0 =	sne.s32 s14, $0x4E00;
	v5 =	vld [tilespmem:s15+$0x0]  }
0x32: {  	v3 =	vld.idx.msk [tilespmem:v3+s9+$0x0], vm3;
	_ =	sdelay $0x3  }
0x33: {  	(xrf1) =	vsort.ascd.msk.f32 $0xffff, v4, v5;
	_ =	sdelay $0x1  }
0x34: {  	vm4 =	vgt.f32 v2, v3  }
0x35: {  	vm3 =	vmand vm3, vm4  }
0x36: {  	vm2 =	vmor vm2, vm3;
	_ =	sdelay $0x9  }
0x37: {  	v2, v3, _ =	vpop (xrf1);
	_ =	sdelay $0x4  }
0x38: {  	v4 =	vld.idx.msk [tilespmem:v3+s9+$0x0], $0xffff;
	_ =	sdelay $0x5  }
0x39: {  	vm3 =	vgt.f32 v2, v4;
	_ =	sdelay $0x2  }
.Ltmp3:
0x3a: {  	(pc) =	sbr.rel @p0 .LBB2_4-.Ltmp3, $3  }
0x3b: {  	_ =	sdelay $0x1  }
0x3c: {  	s15 =	sshra.s32 s14, $0x2;
	[tilespmem:v3+s9+$0x0] =	vst.idx.msk vm3, v2  }
0x3d: {  	s14 =	sadd.s32 $0x40, s14;
	v4 =	vld [tilespmem:s15+$0x1400]  }
0x3e: {  	v5 =	vld [tilespmem:s15+$0x0];
	_ =	sdelay $0x4  }
0x3f: {  	(xrf1) =	vsort.ascd.msk.f32 $0xffff, v4, v5;
	_ =	sdelay $0xd  }
0x40: {  	v4, v5, _ =	vpop (xrf1);
	_ =	sdelay $0x3  }
0x41: {  	v6 =	vld.idx.msk [tilespmem:v5+s9+$0x0], $0xffff;
	_ =	sdelay $0x4  }
0x42: {  	vm4 =	vgt.f32 v4, v6;
	_ =	sdelay $0x5  }
0x43: {  	v3 =	vld.idx.msk [tilespmem:v3+s9+$0x0], vm3;
	[tilespmem:v5+s9+$0x0] =	vst.idx.msk vm4, v4  }
0x44: {  	v5 =	vld.idx.msk [tilespmem:v5+s9+$0x0], vm4;
	_ =	sdelay $0x3  }
0x45: {  	vm5 =	vgt.f32 v2, v3  }
0x46: {  	vm3 =	vmand vm3, vm5;
	vm15 =	vgt.f32 v4, v5  }
0x47: {  	vm2 =	vmor vm2, vm3;
	vm3 =	vmand vm4, vm15  }
0x48: {  	vm2 =	vmor vm2, vm3  }
0x49: {  	v2 =	vsel vm2, $0x3F800000, v1  }
0x4a: {  	(xrf0) =	vmax.scan.msk.f32 $0xffff, v2;
	_ =	sdelay $0x5  }
0x4b: {  	v2, _, _ =	vpop (xrf0)  }
0x4c: {  	(v2sf) =	vpush v2, $0xF;
	_ =	sdelay $0xe  }
0x4d: {  	s14 =	spop (v2sf)  }
0x4e: {  	p0 =	sgt.f32 s14, $0.0e+00  }
.Ltmp4:
0x4f: {  	_ = 	snop;
	(pc) =	sbr.rel @!p0 .LBB2_9-.Ltmp4, $4  }
.Ltmp5:
0x50: {  	_ = 	snop;
	(pc) =	sbr.rel @p0 .LBB2_6-.Ltmp5, $4  }
0x51: {  	_ = 	snop  }
0x52: {  	_ = 	snop  }
0x53: {  	s14 =	simm.s32 $0x0  }
0x54: {  	_ = 	snop  }
.LBB2_8:
0x55: {  	s14 =	sadd.s32 $0x1, s14  }
0x56: {  	p0 =	sne.s32 s14, $0x139  }
.Ltmp6:
0x57: {  	_ = 	snop;
	(pc) =	sbr.rel @!p0 .LBB2_9-.Ltmp6, $1  }
0x58: {  	_ =	sdelay $0x3  }
.LBB2_6:
0x59: {  	s15 =	sshll.u32 s14, $0x4  }
0x5a: {  	v2 =	vld [tilespmem:s15+$0x0];
	_ =	sdelay $0x6  }
0x5b: {  	v3 =	vld [tilespmem:s15+$0x1400]  }
0x5c: {  	v4 =	vld.idx.msk [tilespmem:v2+s9+$0x0], $0xffff;
	_ =	sdelay $0x4  }
0x5d: {  	vm2 =	vgt.f32 v3, v4  }
0x5e: {  	v4 =	vsel vm2, $0x3F800000, v1  }
0x5f: {  	(xrf0) =	vmax.scan.msk.f32 $0xffff, v4;
	_ =	sdelay $0x5  }
0x60: {  	v4, _, _ =	vpop (xrf0)  }
0x61: {  	(v2sf) =	vpush v4, $0xF;
	_ =	sdelay $0xe  }
0x62: {  	s31 =	spop (v2sf)  }
0x63: {  	p0 =	sgt.f32 s31, $0.0e+00  }
.Ltmp7:
0x64: {  	_ = 	snop;
	(pc) =	sbr.rel @!p0 .LBB2_8-.Ltmp7, $1  }
0x65: {  	_ =	sdelay $0x3  }
.LBB2_7:
0x66: {  	[tilespmem:v2+s9+$0x0] =	vst.idx.msk vm2, v3  }
0x67: {  	v4 =	vld.idx.msk [tilespmem:v2+s9+$0x0], vm2;
	_ =	sdelay $0x4  }
0x68: {  	vm3 =	vgt.f32 v3, v4  }
0x69: {  	vm2 =	vmand vm2, vm3  }
0x6a: {  	v4 =	vsel vm2, $0x3F800000, v1  }
0x6b: {  	(xrf0) =	vmax.scan.msk.f32 $0xffff, v4;
	_ =	sdelay $0x5  }
0x6c: {  	v4, _, _ =	vpop (xrf0)  }
0x6d: {  	(v2sf) =	vpush v4, $0xF;
	_ =	sdelay $0xe  }
0x6e: {  	s15 =	spop (v2sf)  }
0x6f: {  	p0 =	sgt.f32 s15, $0.0e+00  }
.Ltmp8:
0x70: {  	_ = 	snop;
	(pc) =	sbr.rel @p0 .LBB2_7-.Ltmp8, $1  }
0x71: {  	_ =	sdelay $0x3  }
.Ltmp9:
0x72: {  	_ = 	snop;
	(pc) =	sbr.rel .LBB2_8-.Ltmp9, $1  }
0x73: {  	_ =	sdelay $0x3  }
.LBB2_10:
0x74: {  	_ =	sfence.sel $0x180000  }
0x75: {  	[bflag:$0x0] =	sbarrier.arrive $0xFFFF  }
0x76: {  	p0 =	sne.s32 s1, $0x0;
	_ =	strace $0x90000047  }
0x77: {  	s0 =	sadd.s32 @!p0 $0x100000, s0;
	[bflag:$0x2] =	sbarrier.arrive $0xFFFF  }
0x78: {  	[sflag:s0] =	ssyncadd.tile.s32 @!p0 $0x1;
	_ =	shalt  }
.Lfunc_end2:
_tile_overlayer_lowered:
.L_overlay_start_2:
0x79: {  	(tag) =	ssettag $0x2  }
0x7a: {  	s0 =	rddreg [dreg:$0x0];
	s2 =	stileid.u32  }
0x7b: {  	s1 =	rddreg [dreg:$0x1];
	p0 =	sne.s32 s2, $0x0  }
0x7c: {  	s3 =	rddreg [dreg:$0x2];
	[bflag:$0x3] =	sbarrier.arrive $0xFFFF;
	s2 =	simm.s32 @!p0 $0x1C02  }
0x7d: {  	[timem:s3], [sflag:s2] =	dma.local @!p0 [hbm:s0], s1  }
0x7e: {  	s0 =	simm.s32 @!p0 $0x2  }
0x7f: {  	_ =	swait.ge @!p0 [sflag:s0], s1  }
0x80: {  	s1 =	ssub.s32 @!p0 $0x0, s1;
	[sflag:s0] =	ssyncset.done @!p0 $0x0  }
0x81: {  	[sflag:s0] =	ssyncadd.s32 @!p0 s1  }
0x82: {  	[bflag:$0x3] =	sbarrier.arrive $0xFFFF  }
0x83: {  	_ =	shalt  }

</sc_bundles>
